<compile_context>
chip_gen: v7x
topology: tpu7x:2x2x1
jax: 0.10.2.dev20260603
libtpu: 0.0.44.dev20260713+nightly
codegen_flags: <defaults>
</compile_context>

<pallas_src>
import functools

import jax
import jax.numpy as jnp
from jax import lax
from jax.experimental import pallas as pl
from jax.experimental.pallas import tpu as pltpu
from jax.experimental.pallas import tpu_sc as plsc

_TBL = 1000
_BLK = 2048


@functools.lru_cache(maxsize=None)
def _make_sc_gather(B: int):
    info = plsc.get_sparse_core_info()
    NC, NS, L = info.num_cores, info.num_subcores, info.num_lanes
    NW = NC * NS
    b_per_w = B // NW
    assert B % (8 * NW) == 0

    mesh = plsc.VectorSubcoreMesh(core_axis_name="c", subcore_axis_name="s")

    @functools.partial(
        pl.kernel,
        mesh=mesh,
        out_type=[
            jax.ShapeDtypeStruct((B,), jnp.float32),
            jax.ShapeDtypeStruct((B,), jnp.float32),
        ],
        scratch_types=[
            pltpu.VMEM((b_per_w,), jnp.int32),
            pltpu.VMEM_SHARED((_TBL,), jnp.float32),
            pltpu.VMEM_SHARED((_TBL,), jnp.float32),
            pltpu.VMEM((b_per_w,), jnp.float32),
            pltpu.VMEM((b_per_w,), jnp.float32),
            pltpu.SemaphoreType.DMA,
            pltpu.SemaphoreType.DMA,
            pltpu.SemaphoreType.DMA,
        ],
    )
    def sc_gather(t_hbm, tab1_hbm, tab2_hbm, s1_hbm, s2_hbm,
                  idx_v, tab1_sh, tab2_sh, s1_v, s2_v, sem1, sem2, sem3):
        sid = lax.axis_index("s")
        wid = sid * NC + lax.axis_index("c")
        base = wid * b_per_w
        idx_cp = pltpu.async_copy(t_hbm.at[pl.ds(base, b_per_w)], idx_v, sem3)

        @pl.when(sid == 0)
        def _():
            pltpu.sync_copy(tab1_hbm, tab1_sh)
            pltpu.sync_copy(tab2_hbm, tab2_sh)

        plsc.subcore_barrier()
        idx_cp.wait()
        cp1 = pltpu.async_copy(tab1_sh.at[idx_v], s1_v, sem1)
        cp2 = pltpu.async_copy(tab2_sh.at[idx_v], s2_v, sem2)
        cp1.wait()
        cp2.wait()
        out1 = pltpu.async_copy(s1_v, s1_hbm.at[pl.ds(base, b_per_w)], sem1)
        out2 = pltpu.async_copy(s2_v, s2_hbm.at[pl.ds(base, b_per_w)], sem2)
        out1.wait()
        out2.wait()

    return sc_gather


def _blend_body(s1_ref, s2_ref, xs_ref, xn_ref, o_ref):
    c1 = s1_ref[...].reshape(_BLK, 1)
    c2 = s2_ref[...].reshape(_BLK, 1)
    o_ref[...] = c1 * xs_ref[...] + c2 * xn_ref[...]


@functools.lru_cache(maxsize=None)
def _make_blend(B: int, D: int):
    nb = B // _BLK
    return pl.pallas_call(
        _blend_body,
        grid=(nb,),
        in_specs=[
            pl.BlockSpec((_BLK,), lambda i: (i,)),
            pl.BlockSpec((_BLK,), lambda i: (i,)),
            pl.BlockSpec((_BLK, D), lambda i: (i, 0)),
            pl.BlockSpec((_BLK, D), lambda i: (i, 0)),
        ],
        out_specs=pl.BlockSpec((_BLK, D), lambda i: (i, 0)),
        out_shape=jax.ShapeDtypeStruct((B, D), jnp.float32),
        compiler_params=pltpu.CompilerParams(
            dimension_semantics=("arbitrary",),
        ),
    )


def kernel(x_start, x_noise, timesteps, sqrt_alphas_cumprod,
           sqrt_one_minus_alphas_cumprod):
    B, D = x_start.shape
    s1g, s2g = _make_sc_gather(B)(
        timesteps.astype(jnp.int32),
        sqrt_alphas_cumprod.astype(jnp.float32),
        sqrt_one_minus_alphas_cumprod.astype(jnp.float32),
    )
    return _make_blend(B, D)(s1g, s2g, x_start, x_noise)

# --- scband reference (transcript-rebuilt; emitter-appended) ---
"""Pipeline reference for scband-noise-scheduler-26860725469511 (READ-ONLY COPY).

The authoritative reference and input builder live on the scoring server;
editing this copy changes nothing except your own understanding.
"""

import jax, jax.numpy as jnp
import numpy as np

B, D, T = 16384, 512, 1000

def setup_inputs(seed: int = 0) -> dict:
    key = jax.random.key(seed)
    k1, k2, k3 = jax.random.split(key, 3)
    betas = jnp.linspace(0.0001, 0.02, T, dtype=jnp.float32)
    alphas = 1.0 - betas
    alphas_cumprod = jnp.cumprod(alphas, axis=0)
    sqrt_alphas_cumprod = jnp.sqrt(alphas_cumprod)
    sqrt_one_minus_alphas_cumprod = jnp.sqrt(1.0 - alphas_cumprod)
    return {
        "x_start": jax.random.normal(k1, (B, D), dtype=jnp.float32),
        "x_noise": jax.random.normal(k2, (B, D), dtype=jnp.float32),
        "timesteps": jax.random.randint(k3, (B,), 0, T),
        "sqrt_alphas_cumprod": sqrt_alphas_cumprod,
        "sqrt_one_minus_alphas_cumprod": sqrt_one_minus_alphas_cumprod,
    }

def reference(x_start, x_noise, timesteps, sqrt_alphas_cumprod, sqrt_one_minus_alphas_cumprod):
    # NoiseScheduler.add_noise: gather per-timestep coefficients then blend
    s1 = jnp.take(sqrt_alphas_cumprod, timesteps, axis=0).reshape(-1, 1)
    s2 = jnp.take(sqrt_one_minus_alphas_cumprod, timesteps, axis=0).reshape(-1, 1)
    return s1 * x_start + s2 * x_noise

if __name__ == "__main__":
    import jax
    _d = setup_inputs()
    print(jax.jit(kernel)(*tuple(_d.values())))

</pallas_src>

<mosaic_0001>
#map = affine_map<(d0, d1) -> (0)>
module attributes {stable_mosaic.version = 14 : i64} {
  func.func @sc_gather(%arg0: i32, %arg1: i32, %arg2: memref<16384xi32, #tpu.memory_space<hbm>>, %arg3: memref<1000xf32, #tpu.memory_space<hbm>>, %arg4: memref<1000xf32, #tpu.memory_space<hbm>>, %arg5: memref<16384xf32, #tpu.memory_space<hbm>>, %arg6: memref<16384xf32, #tpu.memory_space<hbm>>, %arg7: memref<512xi32, #tpu.memory_space<vmem>>, %arg8: memref<1000xf32, #tpu.memory_space<vmem_shared>>, %arg9: memref<1000xf32, #tpu.memory_space<vmem_shared>>, %arg10: memref<512xf32, #tpu.memory_space<vmem>>, %arg11: memref<512xf32, #tpu.memory_space<vmem>>, %arg12: memref<!tpu.dma_semaphore, #tpu.memory_space<semaphore_mem>>, %arg13: memref<!tpu.dma_semaphore, #tpu.memory_space<semaphore_mem>>, %arg14: memref<!tpu.dma_semaphore, #tpu.memory_space<semaphore_mem>>) attributes {dimension_semantics = [#tpu.dimension_semantics<core_parallel>, #tpu.dimension_semantics<subcore_parallel>], iteration_bounds = array<i64: 2, 16>, scalar_prefetch = 0 : i64, scratch_operands = 8 : i64, tpu.core_type = #tpu.core_type<sc_vector_subcore>, window_params = [{transform_indices = #map}, {transform_indices = #map}, {transform_indices = #map}, {transform_indices = #map}, {transform_indices = #map}]} {
    %mul3A = arith.constant 2 : i32
    %mul3A_0 = arith.muli %arg1, %mul3A : i32
    %add3A = arith.addi %mul3A_0, %arg0 : i32
    %mul3A_1 = arith.constant 512 : i32
    %mul3A_2 = arith.muli %add3A, %mul3A_1 : i32
    %dma_start3A = tpu.memref_slice %arg2[%mul3A_2] : memref<16384xi32, #tpu.memory_space<hbm>> -> memref<512xi32, #tpu.memory_space<hbm>>
    %dma_start3A_3 = tpu.memref_slice %arg2[%mul3A_2] : memref<16384xi32, #tpu.memory_space<hbm>> -> memref<512xi32, #tpu.memory_space<hbm>>
    tpu.enqueue_dma source(%dma_start3A_3 : memref<512xi32, #tpu.memory_space<hbm>>) target(%arg7 : memref<512xi32, #tpu.memory_space<vmem>>) target_semaphore(%arg14 : memref<!tpu.dma_semaphore, #tpu.memory_space<semaphore_mem>>)
    %eq3A = arith.constant 0 : i32
    %eq3A_4 = arith.cmpi eq, %arg1, %eq3A : i32
    %convert_element_type3A = arith.extui %eq3A_4 : i1 to i32
    %cond3A = arith.constant 0 : i32
    %cond3A_5 = arith.cmpi ne, %convert_element_type3A, %cond3A : i32
    scf.if %cond3A_5 {
      "tpu.region"() ({
        %run_scoped3A = tpu.sem_alloc : memref<!tpu.dma_semaphore, #tpu.memory_space<semaphore_mem>>
        tpu.enqueue_dma source(%arg3 : memref<1000xf32, #tpu.memory_space<hbm>>) target(%arg8 : memref<1000xf32, #tpu.memory_space<vmem_shared>>) target_semaphore(%run_scoped3A : memref<!tpu.dma_semaphore, #tpu.memory_space<semaphore_mem>>)
        tpu.wait_dma2 semaphore(%run_scoped3A : memref<!tpu.dma_semaphore, #tpu.memory_space<semaphore_mem>>) src(%arg3 : memref<1000xf32, #tpu.memory_space<hbm>>) dst(%arg8 : memref<1000xf32, #tpu.memory_space<vmem_shared>>)
        tpu.yield
      }) : () -> ()
      "tpu.region"() ({
        %run_scoped3A = tpu.sem_alloc : memref<!tpu.dma_semaphore, #tpu.memory_space<semaphore_mem>>
        tpu.enqueue_dma source(%arg4 : memref<1000xf32, #tpu.memory_space<hbm>>) target(%arg9 : memref<1000xf32, #tpu.memory_space<vmem_shared>>) target_semaphore(%run_scoped3A : memref<!tpu.dma_semaphore, #tpu.memory_space<semaphore_mem>>)
        tpu.wait_dma2 semaphore(%run_scoped3A : memref<!tpu.dma_semaphore, #tpu.memory_space<semaphore_mem>>) src(%arg4 : memref<1000xf32, #tpu.memory_space<hbm>>) dst(%arg9 : memref<1000xf32, #tpu.memory_space<vmem_shared>>)
        tpu.yield
      }) : () -> ()
    } else {
    }
    %barrier3A = arith.constant 0 : index
    tpu.barrier barrier_id(%barrier3A)
    %dma_wait3A = tpu.memref_slice %arg2[%mul3A_2] : memref<16384xi32, #tpu.memory_space<hbm>> -> memref<512xi32, #tpu.memory_space<hbm>>
    %dma_wait3A_6 = tpu.memref_slice %arg2[%mul3A_2] : memref<16384xi32, #tpu.memory_space<hbm>> -> memref<512xi32, #tpu.memory_space<hbm>>
    tpu.wait_dma2 semaphore(%arg14 : memref<!tpu.dma_semaphore, #tpu.memory_space<semaphore_mem>>) src(%dma_wait3A_6 : memref<512xi32, #tpu.memory_space<hbm>>) dst(%arg7 : memref<512xi32, #tpu.memory_space<vmem>>)
    %dma_start3A_7 = arith.constant 0 : i32
    %dma_start3A_8 = tpu.memref_slice %arg8[%dma_start3A_7] : memref<1000xf32, #tpu.memory_space<vmem_shared>> -> memref<1000xf32, #tpu.memory_space<vmem_shared>>
    tpu.enqueue_indirect_dma source(%dma_start3A_8 : memref<1000xf32, #tpu.memory_space<vmem_shared>>) target(%arg10 : memref<512xf32, #tpu.memory_space<vmem>>) offsets(%arg7 : memref<512xi32, #tpu.memory_space<vmem>>) semaphore(%arg12 : memref<!tpu.dma_semaphore, #tpu.memory_space<semaphore_mem>>)
    %dma_start3A_9 = arith.constant 0 : i32
    %dma_start3A_10 = tpu.memref_slice %arg9[%dma_start3A_9] : memref<1000xf32, #tpu.memory_space<vmem_shared>> -> memref<1000xf32, #tpu.memory_space<vmem_shared>>
    tpu.enqueue_indirect_dma source(%dma_start3A_10 : memref<1000xf32, #tpu.memory_space<vmem_shared>>) target(%arg11 : memref<512xf32, #tpu.memory_space<vmem>>) offsets(%arg7 : memref<512xi32, #tpu.memory_space<vmem>>) semaphore(%arg13 : memref<!tpu.dma_semaphore, #tpu.memory_space<semaphore_mem>>)
    %dma_wait3A_11 = arith.constant 0 : i32
    %dma_wait3A_12 = tpu.memref_slice %arg8[%dma_wait3A_11] : memref<1000xf32, #tpu.memory_space<vmem_shared>> -> memref<1000xf32, #tpu.memory_space<vmem_shared>>
    tpu.wait_indirect_dma semaphore(%arg12 : memref<!tpu.dma_semaphore, #tpu.memory_space<semaphore_mem>>) src(%dma_wait3A_12 : memref<1000xf32, #tpu.memory_space<vmem_shared>>) dst(%arg10 : memref<512xf32, #tpu.memory_space<vmem>>)
    %dma_wait3A_13 = arith.constant 0 : i32
    %dma_wait3A_14 = tpu.memref_slice %arg9[%dma_wait3A_13] : memref<1000xf32, #tpu.memory_space<vmem_shared>> -> memref<1000xf32, #tpu.memory_space<vmem_shared>>
    tpu.wait_indirect_dma semaphore(%arg13 : memref<!tpu.dma_semaphore, #tpu.memory_space<semaphore_mem>>) src(%dma_wait3A_14 : memref<1000xf32, #tpu.memory_space<vmem_shared>>) dst(%arg11 : memref<512xf32, #tpu.memory_space<vmem>>)
    %dma_start3A_15 = tpu.memref_slice %arg5[%mul3A_2] : memref<16384xf32, #tpu.memory_space<hbm>> -> memref<512xf32, #tpu.memory_space<hbm>>
    %dma_start3A_16 = tpu.memref_slice %arg5[%mul3A_2] : memref<16384xf32, #tpu.memory_space<hbm>> -> memref<512xf32, #tpu.memory_space<hbm>>
    tpu.enqueue_dma source(%arg10 : memref<512xf32, #tpu.memory_space<vmem>>) target(%dma_start3A_16 : memref<512xf32, #tpu.memory_space<hbm>>) target_semaphore(%arg12 : memref<!tpu.dma_semaphore, #tpu.memory_space<semaphore_mem>>)
    %dma_start3A_17 = tpu.memref_slice %arg6[%mul3A_2] : memref<16384xf32, #tpu.memory_space<hbm>> -> memref<512xf32, #tpu.memory_space<hbm>>
    %dma_start3A_18 = tpu.memref_slice %arg6[%mul3A_2] : memref<16384xf32, #tpu.memory_space<hbm>> -> memref<512xf32, #tpu.memory_space<hbm>>
    tpu.enqueue_dma source(%arg11 : memref<512xf32, #tpu.memory_space<vmem>>) target(%dma_start3A_18 : memref<512xf32, #tpu.memory_space<hbm>>) target_semaphore(%arg13 : memref<!tpu.dma_semaphore, #tpu.memory_space<semaphore_mem>>)
    %dma_wait3A_19 = tpu.memref_slice %arg5[%mul3A_2] : memref<16384xf32, #tpu.memory_space<hbm>> -> memref<512xf32, #tpu.memory_space<hbm>>
    %dma_wait3A_20 = tpu.memref_slice %arg5[%mul3A_2] : memref<16384xf32, #tpu.memory_space<hbm>> -> memref<512xf32, #tpu.memory_space<hbm>>
    tpu.wait_dma2 semaphore(%arg12 : memref<!tpu.dma_semaphore, #tpu.memory_space<semaphore_mem>>) src(%arg10 : memref<512xf32, #tpu.memory_space<vmem>>) dst(%dma_wait3A_20 : memref<512xf32, #tpu.memory_space<hbm>>)
    %dma_wait3A_21 = tpu.memref_slice %arg6[%mul3A_2] : memref<16384xf32, #tpu.memory_space<hbm>> -> memref<512xf32, #tpu.memory_space<hbm>>
    %dma_wait3A_22 = tpu.memref_slice %arg6[%mul3A_2] : memref<16384xf32, #tpu.memory_space<hbm>> -> memref<512xf32, #tpu.memory_space<hbm>>
    tpu.wait_dma2 semaphore(%arg13 : memref<!tpu.dma_semaphore, #tpu.memory_space<semaphore_mem>>) src(%arg11 : memref<512xf32, #tpu.memory_space<vmem>>) dst(%dma_wait3A_22 : memref<512xf32, #tpu.memory_space<hbm>>)
    return
  }
}

module attributes {stable_mosaic.version = 14 : i64} {
  func.func @_blend_body(%arg0: i32, %arg1: memref<2048xf32, #tpu.memory_space<vmem>>, %arg2: memref<2048xf32, #tpu.memory_space<vmem>>, %arg3: memref<2048x512xf32, #tpu.memory_space<vmem>>, %arg4: memref<2048x512xf32, #tpu.memory_space<vmem>>, %arg5: memref<2048x512xf32, #tpu.memory_space<vmem>>) attributes {dimension_semantics = [#tpu.dimension_semantics<arbitrary>], iteration_bounds = array<i64: 8>, scalar_prefetch = 0 : i64, scratch_operands = 0 : i64, tpu.core_type = #tpu.core_type<tc>, window_params = [{transform_indices = @transform_0, window_bounds = array<i64: 2048>}, {transform_indices = @transform_1, window_bounds = array<i64: 2048>}, {transform_indices = @transform_2, window_bounds = array<i64: 2048, 512>}, {transform_indices = @transform_3, window_bounds = array<i64: 2048, 512>}, {transform_indices = @transform_4, window_bounds = array<i64: 2048, 512>}]} {
    %get3A = arith.constant 0 : index
    %get3A_0 = vector.load %arg1[%get3A] : memref<2048xf32, #tpu.memory_space<vmem>>, vector<2048xf32>
    %reshape3A = vector.shape_cast %get3A_0 : vector<2048xf32> to vector<2048x1xf32>
    %get3A_1 = arith.constant 0 : index
    %get3A_2 = vector.load %arg2[%get3A_1] : memref<2048xf32, #tpu.memory_space<vmem>>, vector<2048xf32>
    %reshape3A_3 = vector.shape_cast %get3A_2 : vector<2048xf32> to vector<2048x1xf32>
    %get3A_4 = arith.constant 0 : index
    %get3A_5 = arith.constant 0 : index
    %get3A_6 = vector.load %arg3[%get3A_4, %get3A_5] : memref<2048x512xf32, #tpu.memory_space<vmem>>, vector<2048x512xf32>
    %mul3A = vector.broadcast %reshape3A : vector<2048x1xf32> to vector<2048x512xf32>
    %mul3A_7 = arith.mulf %mul3A, %get3A_6 : vector<2048x512xf32>
    %get3A_8 = arith.constant 0 : index
    %get3A_9 = arith.constant 0 : index
    %get3A_10 = vector.load %arg4[%get3A_8, %get3A_9] : memref<2048x512xf32, #tpu.memory_space<vmem>>, vector<2048x512xf32>
    %mul3A_11 = vector.broadcast %reshape3A_3 : vector<2048x1xf32> to vector<2048x512xf32>
    %mul3A_12 = arith.mulf %mul3A_11, %get3A_10 : vector<2048x512xf32>
    %add3A = arith.addf %mul3A_7, %mul3A_12 : vector<2048x512xf32>
    %swap3A = arith.constant 0 : index
    %swap3A_13 = arith.constant 0 : index
    %swap3A_14 = vector.load %arg5[%swap3A, %swap3A_13] : memref<2048x512xf32, #tpu.memory_space<vmem>>, vector<2048x512xf32>
    tpu.vector_store %arg5[%swap3A, %swap3A_13], %add3A {strides = array<i32>} : memref<2048x512xf32, #tpu.memory_space<vmem>>, vector<2048x512xf32>,
    return
  }
  func.func @transform_0(%arg0: i32) -> i32 {
    %c0_i32 = arith.constant 0 : i32
    return %arg0 : i32
  }
  func.func @transform_1(%arg0: i32) -> i32 {
    %c0_i32 = arith.constant 0 : i32
    return %arg0 : i32
  }
  func.func @transform_2(%arg0: i32) -> (i32, i32) {
    %c0_i32 = arith.constant 0 : i32
    %c0_i32_0 = arith.constant 0 : i32
    return %arg0, %c0_i32 : i32, i32
  }
  func.func @transform_3(%arg0: i32) -> (i32, i32) {
    %c0_i32 = arith.constant 0 : i32
    %c0_i32_0 = arith.constant 0 : i32
    return %arg0, %c0_i32 : i32, i32
  }
  func.func @transform_4(%arg0: i32) -> (i32, i32) {
    %c0_i32 = arith.constant 0 : i32
    %c0_i32_0 = arith.constant 0 : i32
    return %arg0, %c0_i32 : i32, i32
  }
}

</mosaic_0001>

<sc_bundles>
// kernel: kernel.4.cloned.1.call-start
scs
__scs_entry_jumppad:
0x0: {  	(pc) =	sbr.rel $0x88, $3  }
0x1: {  	(tag) =	ssettag $0x0;
	lr =	simm.s32 $0x1  }
0x2: {  	[smem:$0x3F9C] =	sst lr;
	_ =	strace $0xD0000000  }
0x3: {  	_ = 	snop  }
0x4: {  	_ = 	snop  }
0x5: {  	_ = 	snop  }
0x6: {  	_ = 	snop  }
0x7: {  	_ = 	snop  }
__scs_overlays_trampoline_lowered:
0x8: {  	[smem:$0x3FAB] =	sst s0  }
0x9: {  	[smem:$0x3FAC] =	sst s1  }
0xa: {  	[smem:$0x3FAD] =	sst s2  }
0xb: {  	[smem:$0x3FAE] =	sst s3  }
0xc: {  	[smem:$0x3FAF] =	sst s4  }
0xd: {  	[smem:$0x3FB0] =	sst s5  }
0xe: {  	[smem:$0x3FB1] =	sst s6  }
0xf: {  	[smem:$0x3FB2] =	sst s7  }
0x10: {  	[smem:$0x3FB3] =	sst s8  }
0x11: {  	[smem:$0x3FB4] =	sst s9;
	s0 =	simm.s32 @!p0 $0x0  }
0x12: {  	s1 =	sld [smem:$0x3F9A];
	s0 =	simm.s32 @p0 $0x1  }
0x13: {  	[smem:$0x3FB5] =	sst s0;
	s0 =	simm.s32 @!p1 $0x0  }
0x14: {  	s2 =	sld [smem:$0x3F99];
	s0 =	simm.s32 @p1 $0x1  }
0x15: {  	[smem:$0x3FB6] =	sst s0;
	s0 =	simm.s32 @!p2 $0x0  }
0x16: {  	s3 =	sld [smem:$0x3FDB];
	s0 =	simm.s32 @p2 $0x1  }
0x17: {  	s4 =	simm.s32 $0x1BF5;
	[smem:$0x3FB8] =	sst s0  }
0x18: {  	s0 =	sld [smem:$0x3F9B];
	_ =	swait.ge [sflag:s4], $0x0  }
0x19: {  	s7 =	sld [smem:$0x3F9C]  }
0x1a: {  	s8 =	sadd.s32 $0xFFFFE003, lr  }
0x1b: {  	s9 =	sadd.s32 $0xFFFFFEF7, lr;
	s5 =	simm.s32 $0xFFFFFFFF;
	p2 =	slt.u32 s8, $0xFFFFF086  }
0x1c: {  	p1 =	slt.u32 s9, $0xF7A;
	s5 =	simm.s32 @!p2 $0x0  }
0x1d: {  	s5 =	simm.s32 @p1 $0x1;
	p0 =	seq.s32 s7, s2  }
0x1e: {  	s7 =	smul.u32 @!p0 $0xF7A, s2;
	p2 =	seq.s32 @!p0 s5, $0x0  }
0x1f: {  	s9 =	smul.u32 $0xF7A, s1;
	s8 =	simm.s32 @!p0 $0x1BF5;
	p2 =	por !p2, p0  }
0x20: {  	[sflag:s8] =	ssyncset.s32 @!p0 $0xFFFFF086;
	s6 =	sadd.s32 @!p0 s3, s7;
	s7 =	simm.s32 @!p0 $0x108  }
0x21: {  	s3 =	sadd.s32 s3, s9;
	s6 =	sadd.s32 @!p0 $0x88, s6;
	s7 =	simm.s32 @p2 $0x1082  }
0x22: {  	[simem:s7], [sflag:s8] =	dma.local @!p0 [hbm:s6], $0xF7A  }
0x23: {  	s9 =	sor.u32 $0xD0000000, s2;
	s6 =	simm.s32 $0x108;
	_ =	swait.ge @!p0 [sflag:s8], $0x0  }
0x24: {  	s3 =	sadd.s32 $0x88, s3;
	s6 =	simm.s32 @!p1 $0x1082;
	[sflag:s4] =	ssyncset.s32 $0xFFFFF086  }
0x25: {  	[simem:s6], [sflag:s4] =	dma.local [hbm:s3], $0xF7A  }
0x26: {  	[smem:$0x3F9C] =	sst s1;
	(tag) =	ssettag s2;
	_ =	strace s9  }
0x27: {  	s1 =	sld [smem:$0x3FAC]  }
0x28: {  	s2 =	sld [smem:$0x3FAD]  }
0x29: {  	s4 =	sld [smem:$0x3FAF]  }
0x2a: {  	p0 =	seq.s32 s5, $0x0;
	s5 =	sld [smem:$0x3FB0]  }
0x2b: {  	s6 =	sld [smem:$0x3FB1]  }
0x2c: {  	s7 =	sld [smem:$0x3FB2]  }
0x2d: {  	s3 =	simm.s32 $0x108;
	s8 =	sld [smem:$0x3FB3]  }
0x2e: {  	s3 =	simm.s32 @!p0 $0x1082;
	s9 =	sld [smem:$0x3FB4]  }
0x2f: {  	lr =	sadd.s32 s0, s3;
	s0 =	sld [smem:$0x3FAB]  }
0x30: {  	s3 =	sld [smem:$0x3FAE]  }
0x31: {  	[smem:$0x3FB7] =	sst s10  }
0x32: {  	s10 =	sld [smem:$0x3FB5];
	_ =	sdelay $0x3  }
0x33: {  	p0 =	seq.s32 s10, $0x1;
	s10 =	sld [smem:$0x3FB7];
	_ =	sdelay $0x3  }
0x34: {  	[smem:$0x3FB7] =	sst s10  }
0x35: {  	s10 =	sld [smem:$0x3FB6];
	_ =	sdelay $0x3  }
0x36: {  	p1 =	seq.s32 s10, $0x1;
	s10 =	sld [smem:$0x3FB7];
	_ =	sdelay $0x3  }
0x37: {  	[smem:$0x3FB7] =	sst s10  }
0x38: {  	s10 =	sld [smem:$0x3FB8]  }
0x39: {  	_ = 	snop;
	(pc) =	sbr.ind lr, $3  }
0x3a: {  	_ = 	snop  }
0x3b: {  	_ = 	snop  }
0x3c: {  	p2 =	seq.s32 s10, $0x1;
	s10 =	sld [smem:$0x3FB7]  }
0x3d: {  	_ =	shalt  }
0x3e: {  	_ =	shalt  }
0x3f: {  	_ =	shalt  }
0x40: {  	_ =	shalt  }
0x41: {  	_ =	shalt  }
0x42: {  	_ =	shalt  }
0x43: {  	_ =	shalt  }
0x44: {  	_ =	shalt  }
0x45: {  	_ =	shalt  }
0x46: {  	_ =	shalt  }
0x47: {  	_ =	shalt  }
0x48: {  	_ =	shalt  }
0x49: {  	_ =	shalt  }
0x4a: {  	_ =	shalt  }
0x4b: {  	_ =	shalt  }
0x4c: {  	_ =	shalt  }
0x4d: {  	_ =	shalt  }
0x4e: {  	_ =	shalt  }
0x4f: {  	_ =	shalt  }
0x50: {  	_ =	shalt  }
0x51: {  	_ =	shalt  }
0x52: {  	_ =	shalt  }
0x53: {  	_ =	shalt  }
0x54: {  	_ =	shalt  }
0x55: {  	_ =	shalt  }
0x56: {  	_ =	shalt  }
0x57: {  	_ =	shalt  }
0x58: {  	_ =	shalt  }
0x59: {  	_ =	shalt  }
0x5a: {  	_ =	shalt  }
0x5b: {  	_ =	shalt  }
0x5c: {  	_ =	shalt  }
0x5d: {  	_ =	shalt  }
0x5e: {  	_ =	shalt  }
0x5f: {  	_ =	shalt  }
0x60: {  	_ =	shalt  }
0x61: {  	_ =	shalt  }
0x62: {  	_ =	shalt  }
0x63: {  	_ =	shalt  }
0x64: {  	_ =	shalt  }
0x65: {  	_ =	shalt  }
0x66: {  	_ =	shalt  }
0x67: {  	_ =	shalt  }
0x68: {  	_ =	shalt  }
0x69: {  	_ =	shalt  }
0x6a: {  	_ =	shalt  }
0x6b: {  	_ =	shalt  }
0x6c: {  	_ =	shalt  }
0x6d: {  	_ =	shalt  }
0x6e: {  	_ =	shalt  }
0x6f: {  	_ =	shalt  }
0x70: {  	_ =	shalt  }
0x71: {  	_ =	shalt  }
0x72: {  	_ =	shalt  }
0x73: {  	_ =	shalt  }
0x74: {  	_ =	shalt  }
0x75: {  	_ =	shalt  }
0x76: {  	_ =	shalt  }
0x77: {  	_ =	shalt  }
0x78: {  	_ =	shalt  }
0x79: {  	_ =	shalt  }
0x7a: {  	_ =	shalt  }
0x7b: {  	_ =	shalt  }
0x7c: {  	_ =	shalt  }
0x7d: {  	_ =	shalt  }
0x7e: {  	_ =	shalt  }
0x7f: {  	_ =	shalt  }
0x80: {  	_ =	shalt  }
0x81: {  	_ =	shalt  }
0x82: {  	_ =	shalt  }
0x83: {  	_ =	shalt  }
0x84: {  	_ =	shalt  }
0x85: {  	_ =	shalt  }
0x86: {  	_ =	shalt  }
0x87: {  	_ =	shalt  }
.Lfunc_end0:
.L_simem_size_0:
called_computation_lowered:
.L_overlay_start_0:
0x88: {  	s2 =	sld [smem:$0x3FD9]  }
0x89: {  	s3 =	sld [smem:$0x3FFE];
	_ =	sdelay $0x1  }
0x8a: {  	s1 =	srdreg.scid  }
0x8b: {  	s0 =	sand.u32 $0x1, s1  }
0x8c: {  	s17 =	sshll.u32 s0, $0xA;
	s2 =	sadd.s32 s3, s2  }
0x8d: {  	s2 =	sadd.s32 s2, s17  }
0x8e: {  	[smem:$0x3FC3] =	sst s2  }
0x8f: {  	_ = 	snop  }
0x90: {  	s2 =	sld [smem:$0x3FC7]  }
0x91: {  	s18 =	sld [smem:$0x3FC6]  }
0x92: {  	s4 =	sld [smem:$0x3FC5]  }
0x93: {  	s5 =	sld [smem:$0x3FD0];
	(tm) =	ssettm $0x1  }
0x94: {  	s6 =	sld [smem:$0x3FFB];
	_ =	sdelay $0x3  }
0x95: {  	_ =	strace s6  }
0x96: {  	s6 =	sld [smem:$0x3FFC];
	_ =	sdelay $0x3  }
0x97: {  	_ =	strace s6  }
0x98: {  	s6 =	sld [smem:$0x3FFD];
	_ =	sdelay $0x3  }
0x99: {  	_ =	strace s6  }
0x9a: {  	_ =	strace $0x8FFFFFFF  }
0x9b: {  	s19 =	sld [smem:$0x3FDB];
	_ =	sdelay $0x1  }
0x9c: {  	s7 =	simm.s32 $_scs_section_size  }
0x9d: {  	s8 =	simm.s32 $_size__tile_overlayer_lowered;
	s9 =	simm.s32 $_tile_overlayer_lowered  }
0x9e: {  	s22 =	simm.s32 $0x1BFF;
	s21 =	sshll.u32 s9, $0x1;
	s6 =	sadd.s32 s7, s19  }
0x9f: {  	s10 =	simm.s32 $0x0;
	s20 =	sshll.u32 s8, $0x1;
	s8 =	sadd.s32 s21, s6  }
0xa0: {  	[timem:s10], [sflag:s22] =	dma.local [hbm:s8], s20  }
0xa1: {  	_ =	swait.ge [sflag:s22], s20  }
0xa2: {  	s7 =	ssub.s32 $0x0, s20;
	[sflag:s22] =	ssyncset.done $0x0  }
0xa3: {  	[sflag:s22] =	ssyncadd.s32 s7;
	_ =	sdelay $0x1  }
0xa4: {  	s23 =	simm.s32 $0x1B8B  }
0xa5: {  	_ =	swait.ge [sflag:s23], $0x1  }
0xa6: {  	[sflag:s23] =	ssyncset.done $0x0  }
0xa7: {  	s25 =	simm.s32 $0x1B8E;
	s24 =	sld [smem:$0x3FFE];
	[sflag:s23] =	ssyncadd.s32 $0xFFFFFFFF  }
0xa8: {  	s26 =	simm.s32 $execute0_lowered;
	[smem:$0x3FD2] =	sst s25  }
0xa9: {  	s8 =	sshll.u32 s26, $0x1;
	_ =	strace $0x80000046;
	[dreg:$0x1] =	wrdreg $0xFFFFFFFF  }
0xaa: {  	s28 =	simm.s32 $_size_execute0_lowered;
	s6 =	sadd.s32 s6, s8;
	[dreg:$0x0] =	wrdreg $0x0  }
0xab: {  	s8 =	sshll.u32 s28, $0x1;
	[dreg:$0x2] =	wrdreg s6  }
0xac: {  	[dreg:$0x3] =	wrdreg s8  }
0xad: {  	[dreg:$0x4] =	wrdreg $0xC0  }
0xae: {  	_ =	task [dreg:s10], $0x5FFFF  }
0xaf: {  	[dreg:$0x1] =	wrdreg $0xFFFFFFFF  }
0xb0: {  	[dreg:$0x0] =	wrdreg $0x60  }
0xb1: {  	[dreg:$0x2] =	wrdreg s2  }
0xb2: {  	[dreg:$0x3] =	wrdreg s18  }
0xb3: {  	[dreg:$0x4] =	wrdreg s4  }
0xb4: {  	[dreg:$0x5] =	wrdreg s5  }
0xb5: {  	[dreg:$0x6] =	wrdreg s24  }
0xb6: {  	[dreg:$0x7] =	wrdreg $0x2000  }
0xb7: {  	[dreg:$0x8] =	wrdreg $0x2400  }
0xb8: {  	[dreg:$0x9] =	wrdreg $0x9  }
0xb9: {  	_ =	task.clear_ibuf [dreg:s10], $0xAFFFF;
	_ =	strace $0x90000046  }
0xba: {  	s29 =	simm.s32 $0x9;
	_ =	strace $0x80000048  }
0xbb: {  	_ =	swait.ge [sflag:s29], $0x1  }
0xbc: {  	[sflag:s29] =	ssyncadd.s32 $0xFFFFFFFF  }
0xbd: {  	_ =	strace $0x90000048  }
0xbe: {  	_ =	sfence  }
0xbf: {  	s30 =	sld [smem:$0x0];
	_ =	sdelay $0x2  }
0xc0: {  	s31 =	sshll.u32 s1, $0xD;
	s1 =	sshrl.u32 s1, $0x2  }
0xc1: {  	s3 =	sand.u32 $0x4000, s31;
	s1 =	sadd.s32 s1, s30  }
0xc2: {  	s0 =	sor.u32 s3, s0;
	s1 =	sshll.u32 s1, $0x11  }
0xc3: {  	s0 =	sor.u32 s1, s0  }
0xc4: {  	s0 =	sadd.s32 $0x8F2B, s0  }
0xc5: {  	[sflag:s0] =	ssyncadd.remote.s32 $0x1  }
0xc6: {  	_ =	sfence.sel $0xFFFF  }
0xc7: {  	[dreg:$0x0] =	wrdreg $0xFFFFFFFF;
	(pc) =	sbr.abs _section_cstart, $3  }
0xc8: {  	[dreg:$0x1] =	wrdreg $0xFFFFFFFF  }
0xc9: {  	_ =	task.clear_ibuf [dreg:s10], $0x2FFFF;
	_ =	strace $0x9FFFFFFF  }
0xca: {  	(tm) =	ssettm $0x7FFFFFFF  }
0xcb: {  	_ =	shalt  }
tec
execute0_lowered:
.L_overlay_start_1:
0x0: {  	(tag) =	ssettag $0x1  }
0x1: {  	s6 =	rddreg [dreg:$0x0]  }
0x2: {  	s0 =	rddreg [dreg:$0x1]  }
0x3: {  	s2 =	rddreg [dreg:$0x2]  }
0x4: {  	s17 =	rddreg [dreg:$0x3]  }
0x5: {  	s18 =	rddreg [dreg:$0x4]  }
0x6: {  	s3 =	rddreg [dreg:$0x5]  }
0x7: {  	s4 =	rddreg [dreg:$0x6];
	s5 =	srdreg.scid  }
0x8: {  	s1 =	rddreg [dreg:$0x7];
	s7 =	stileid.u32  }
0x9: {  	s19 =	sand.u32 $0x1, s5;
	s5 =	simm.s32 $0x0;
	s8 =	sshll.u32 s7, $0x7  }
0xa: {  	p0 =	sne.s32 s7, $0x0;
	s9 =	sshll.u32 s19, $0x6;
	[smem:$0x7FF] =	sst s5  }
0xb: {  	s7 =	sshrl.u32 @!p0 s3, $0x3;
	s20 =	sor.u32 s9, s8;
	_ =	strace $0x80000047  }
0xc: {  	s8 =	simm.s32 @!p0 $0x1C04;
	s9 =	simm.s32 @!p0 $0x4;
	s6 =	sadd.s32 s6, s20  }
0xd: {  	[tilespmem:s5], [sflag:$0x3] =	stream.linear.gather [hbm4b:s6+s5], $0x200, $0x38;
	[tilespmem:$0x680] =	vst v63  }
0xe: {  	[spmem:s7], [sflag:s8] =	dma.local @!p0 [hbm:s0], $0x80  }
0xf: {  	_ =	swait.ge @!p0 [sflag:s9], $0x80  }
0x10: {  	[sflag:s9] =	ssyncset.done @!p0 $0x0  }
0x11: {  	s10 =	sshrl.u32 @!p0 s4, $0x3;
	[sflag:s9] =	ssyncadd.s32 @!p0 $0xFFFFFF80  }
0x12: {  	[spmem:s10], [sflag:s8] =	dma.local @!p0 [hbm:s2], $0x80  }
0x13: {  	_ =	swait.ge @!p0 [sflag:s9], $0x80  }
0x14: {  	[sflag:s9] =	ssyncset.done @!p0 $0x0  }
0x15: {  	[sflag:s9] =	ssyncadd.s32 @!p0 $0xFFFFFF80  }
0x16: {  	s11 =	simm.s32 $0x3;
	[bflag:$0x0] =	sbarrier.arrive $0xFFFF  }
0x17: {  	_ =	swait.ge [sflag:s11], $0x200  }
0x18: {  	[sflag:s11] =	ssyncset.done $0x0  }
0x19: {  	s12 =	simm.s32 $0x200;
	s13 =	simm.s32 $0x280;
	[sflag:s11] =	ssyncadd.s32 $0xFFFFFE00  }
0x1a: {  	[tilespmem:s13], [sflag:$0x1] =	stream.indirect.gather [spmem:s3], $0x1, s5, s12, $0xb8;
	[tilespmem:$0x680] =	vst v63  }
0x1b: {  	s14 =	simm.s32 $0x480;
	s15 =	simm.s32 $0x1  }
0x1c: {  	[tilespmem:s14], [sflag:$0x2] =	stream.indirect.gather [spmem:s4], $0x1, s5, s12, $0xb8;
	[tilespmem:$0x680] =	vst v63  }
0x1d: {  	_ =	swait.ge [sflag:s15], $0x200  }
0x1e: {  	s19 =	ssub.s32 $0x2, s19;
	[sflag:s15] =	ssyncset.done $0x0  }
0x1f: {  	s16 =	simm.s32 $0x2;
	s31 =	sshrl.u32 s19, $0x1;
	[sflag:s15] =	ssyncadd.s32 $0xFFFFFE00  }
0x20: {  	s19 =	ssub.s32 s19, s31;
	_ =	swait.ge [sflag:s16], $0x200  }
0x21: {  	s18 =	sadd.s32 s20, s18;
	s19 =	smax.u32 s19, $0x1;
	[sflag:s16] =	ssyncset.done $0x0  }
0x22: {  	s17 =	sadd.s32 s17, s20;
	s19 =	sadd.s32 $0xFFFFFFFF, s19;
	[sflag:s16] =	ssyncadd.s32 $0xFFFFFE00  }
0x23: {  	[hbm4b:s17+s5] =	stream.linear.scatter [tilespmem:s13], [sflag:$0x1], $0x200, $0x38;
	[tilespmem:$0x680] =	vst v63  }
0x24: {  	s18 =	sadd.s32 $0xC00, s18;
	p1 =	sne.s32 s19, $0x0  }
0x25: {  	[hbm4b:s18+s5] =	stream.linear.scatter [tilespmem:s14], [sflag:$0x2], $0x200, $0x38;
	[tilespmem:$0x680] =	vst v63  }
.Ltmp0:
0x26: {  	_ =	swait.ge [sflag:s15], $0x200;
	(pc) =	sbr.rel @!p1 .LBB2_2-.Ltmp0, $4  }
0x27: {  	[sflag:s15] =	ssyncset.done $0x0  }
0x28: {  	[sflag:s15] =	ssyncadd.s32 $0xFFFFFE00  }
0x29: {  	_ =	swait.ge [sflag:s16], $0x200  }
0x2a: {  	[sflag:s16] =	ssyncset.done $0x0  }
.LBB2_1:
0x2b: {  	[sflag:s16] =	ssyncadd.s32 $0xFFFFFE00  }
0x2c: {  	[tilespmem:s5], [sflag:$0x3] =	stream.linear.gather [hbm4b:s6+s5], $0x200, $0x38;
	[tilespmem:$0x680] =	vst v63  }
0x2d: {  	[spmem:s7], [sflag:s8] =	dma.local @!p0 [hbm:s0], $0x80  }
0x2e: {  	s19 =	sadd.s32 $0xFFFFFFFF, s19;
	_ =	swait.ge @!p0 [sflag:s9], $0x80  }
0x2f: {  	p1 =	sne.s32 s19, $0x0;
	[sflag:s9] =	ssyncset.done @!p0 $0x0  }
0x30: {  	[sflag:s9] =	ssyncadd.s32 @!p0 $0xFFFFFF80  }
0x31: {  	[spmem:s10], [sflag:s8] =	dma.local @!p0 [hbm:s2], $0x80  }
0x32: {  	_ =	swait.ge @!p0 [sflag:s9], $0x80  }
0x33: {  	[sflag:s9] =	ssyncset.done @!p0 $0x0  }
0x34: {  	[sflag:s9] =	ssyncadd.s32 @!p0 $0xFFFFFF80  }
0x35: {  	[bflag:$0x0] =	sbarrier.arrive $0xFFFF  }
0x36: {  	_ =	swait.ge [sflag:s11], $0x200  }
0x37: {  	[sflag:s11] =	ssyncset.done $0x0  }
0x38: {  	[sflag:s11] =	ssyncadd.s32 $0xFFFFFE00  }
0x39: {  	[tilespmem:s13], [sflag:$0x1] =	stream.indirect.gather [spmem:s3], $0x1, s5, s12, $0xb8;
	[tilespmem:$0x680] =	vst v63  }
0x3a: {  	_ = 	snop  }
0x3b: {  	[tilespmem:s14], [sflag:$0x2] =	stream.indirect.gather [spmem:s4], $0x1, s5, s12, $0xb8;
	[tilespmem:$0x680] =	vst v63  }
0x3c: {  	_ =	swait.ge [sflag:s15], $0x200  }
0x3d: {  	[sflag:s15] =	ssyncset.done $0x0  }
0x3e: {  	[sflag:s15] =	ssyncadd.s32 $0xFFFFFE00  }
0x3f: {  	_ =	swait.ge [sflag:s16], $0x200  }
0x40: {  	[sflag:s16] =	ssyncset.done $0x0  }
0x41: {  	[sflag:s16] =	ssyncadd.s32 $0xFFFFFE00  }
0x42: {  	[hbm4b:s17+s5] =	stream.linear.scatter [tilespmem:s13], [sflag:$0x1], $0x200, $0x38;
	[tilespmem:$0x680] =	vst v63  }
0x43: {  	_ = 	snop  }
0x44: {  	[hbm4b:s18+s5] =	stream.linear.scatter [tilespmem:s14], [sflag:$0x2], $0x200, $0x38;
	[tilespmem:$0x680] =	vst v63  }
.Ltmp1:
0x45: {  	_ =	swait.ge [sflag:s15], $0x200;
	(pc) =	sbr.rel @p1 .LBB2_1-.Ltmp1, $4  }
0x46: {  	[sflag:s15] =	ssyncset.done $0x0  }
0x47: {  	[sflag:s15] =	ssyncadd.s32 $0xFFFFFE00  }
0x48: {  	_ =	swait.ge [sflag:s16], $0x200  }
0x49: {  	[sflag:s16] =	ssyncset.done $0x0  }
.LBB2_2:
0x4a: {  	[sflag:s16] =	ssyncadd.s32 $0xFFFFFE00  }
0x4b: {  	_ =	sfence.sel $0x180000  }
0x4c: {  	[bflag:$0x0] =	sbarrier.arrive $0xFFFF  }
0x4d: {  	_ =	strace $0x90000047  }
0x4e: {  	s0 =	sadd.s32 @!p0 $0x100000, s1;
	[bflag:$0x2] =	sbarrier.arrive $0xFFFF  }
0x4f: {  	[sflag:s0] =	ssyncadd.tile.s32 @!p0 $0x1;
	_ =	shalt  }
.Lfunc_end2:
_tile_overlayer_lowered:
.L_overlay_start_2:
0x50: {  	(tag) =	ssettag $0x2  }
0x51: {  	s0 =	rddreg [dreg:$0x0];
	s2 =	stileid.u32  }
0x52: {  	s1 =	rddreg [dreg:$0x1];
	p0 =	sne.s32 s2, $0x0  }
0x53: {  	s3 =	rddreg [dreg:$0x2];
	[bflag:$0x3] =	sbarrier.arrive $0xFFFF;
	s2 =	simm.s32 @!p0 $0x1C04  }
0x54: {  	[timem:s3], [sflag:s2] =	dma.local @!p0 [hbm:s0], s1  }
0x55: {  	s0 =	simm.s32 @!p0 $0x4  }
0x56: {  	_ =	swait.ge @!p0 [sflag:s0], s1  }
0x57: {  	s1 =	ssub.s32 @!p0 $0x0, s1;
	[sflag:s0] =	ssyncset.done @!p0 $0x0  }
0x58: {  	[sflag:s0] =	ssyncadd.s32 @!p0 s1  }
0x59: {  	[bflag:$0x3] =	sbarrier.arrive $0xFFFF  }
0x5a: {  	_ =	shalt  }

</sc_bundles>
